<compile_context>
chip_gen: v7x
topology: tpu7x:2x2x1
jax: 0.10.2.dev20260603
libtpu: 0.0.44.dev20260713+nightly
codegen_flags: <defaults>
</compile_context>

<pallas_src>
import functools

import jax
import jax.numpy as jnp
from jax import lax
from jax.experimental import pallas as pl
from jax.experimental.pallas import tpu as pltpu
from jax.experimental.pallas import tpu_sc as plsc

_K = 8192
_D = 256
_T = 256
_N = 4096
_NT = _N // _T


def _tc_body(z_ref, emb_ref, idx_ref, loss_ref, emb_m2, esq_s, loss_acc):
    i = pl.program_id(0)

    @pl.when(i == 0)
    def _():
        emb = emb_ref[...]
        emb_m2[...] = emb * -2.0
        esq_s[...] = jnp.sum(emb * emb, axis=1, keepdims=True)
        loss_acc[0, 0] = 0.0

    zb = z_ref[0]
    zsq = jnp.sum(zb * zb, axis=0, keepdims=True)
    mm2 = lax.dot_general(emb_m2[...], zb, (((1,), (0,)), ((), ())),
                          preferred_element_type=jnp.float32)
    d = (zsq + esq_s[...]) + mm2

    bmin = jnp.min(d, axis=0, keepdims=True)
    idx_ref[0] = jnp.argmin(d, axis=0).astype(jnp.int32).reshape(1, _T)
    loss_acc[0, 0] += jnp.sum(bmin)

    @pl.when(i == _NT - 1)
    def _():
        loss_ref[0, 0] = loss_acc[0, 0] / (_N * _D)


def _tc_distance_argmin(z, embedding):
    return pl.pallas_call(
        _tc_body,
        grid=(_NT,),
        in_specs=[
            pl.BlockSpec((1, _D, _T), lambda i: (i, 0, 0)),
            pl.BlockSpec((_K, _D), lambda i: (0, 0)),
        ],
        out_specs=[
            pl.BlockSpec((1, 1, _T), lambda i: (i, 0, 0)),
            pl.BlockSpec(memory_space=pltpu.SMEM),
        ],
        out_shape=[
            jax.ShapeDtypeStruct((_NT, 1, _T), jnp.int32),
            jax.ShapeDtypeStruct((1, 1), jnp.float32),
        ],
        scratch_shapes=[
            pltpu.VMEM((_K, _D), jnp.float32),
            pltpu.VMEM((_K, 1), jnp.float32),
            pltpu.SMEM((1, 1), jnp.float32),
        ],
    )(z, embedding)


def _sc_gather_hist(embedding, idx):
    info = plsc.get_sparse_core_info()
    nc, ns, nl = info.num_cores, info.num_subcores, info.num_lanes
    b_per_w = _N // (nc * ns)
    mesh = plsc.VectorSubcoreMesh(core_axis_name="c", subcore_axis_name="s")

    @functools.partial(
        pl.kernel, mesh=mesh,
        out_type=[
            jax.ShapeDtypeStruct((_N, _D), jnp.float32),
            jax.ShapeDtypeStruct((nc, _K), jnp.float32),
        ],
        scratch_types=[
            pltpu.VMEM((b_per_w,), jnp.int32),
            pltpu.VMEM((b_per_w, _D), jnp.float32),
            pltpu.VMEM((b_per_w,), jnp.float32),
            pltpu.VMEM((_K // 16,), jnp.float32),
            pltpu.VMEM_SHARED((_K,), jnp.float32),
            pltpu.SemaphoreType.DMA,
        ],
    )
    def k(table_hbm, idx_hbm, out_hbm, hist_hbm,
          idx_v, rows_v, ones_v, zer_v, hist_s, sem):
        cidx = lax.axis_index("c")
        sidx = lax.axis_index("s")
        wid = sidx * nc + cidx
        base = wid * b_per_w
        tpb = _T // b_per_w
        pltpu.sync_copy(
            idx_hbm.at[wid // tpb, 0, pl.ds((wid % tpb) * b_per_w, b_per_w)],
            idx_v)
        cp = pltpu.async_copy(table_hbm.at[idx_v], rows_v, sem)

        ones = jnp.full((nl,), 1.0, jnp.float32)

        def obody(g, carry):
            ones_v[pl.ds(g * nl, nl)] = ones
            return carry

        lax.fori_loop(0, b_per_w // nl, obody, 0)

        zeros = jnp.zeros((nl,), jnp.float32)
        zslice = _K // ns

        def zbody(g, carry):
            zer_v[pl.ds(g * nl, nl)] = zeros
            return carry

        lax.fori_loop(0, zslice // nl, zbody, 0)
        pltpu.sync_copy(zer_v, hist_s.at[pl.ds(sidx * zslice, zslice)])

        plsc.subcore_barrier()
        pltpu.sync_copy(ones_v, hist_s.at[idx_v], add=True)
        plsc.subcore_barrier()

        @pl.when(sidx == 0)
        def _():
            pltpu.sync_copy(hist_s, hist_hbm.at[cidx])

        cp.wait()
        pltpu.sync_copy(rows_v, out_hbm.at[pl.ds(base, b_per_w)])

    return k(embedding, idx)


def _fin_body(h_ref, perp_ref):
    counts = jnp.sum(h_ref[...], axis=0, keepdims=True)
    avg = counts / _N
    ent = jnp.sum(avg * jnp.log(avg + 1e-10))
    perp_ref[0, 0] = jnp.exp(-ent)


def _finalize_perp(hists):
    return pl.pallas_call(
        _fin_body,
        out_specs=pl.BlockSpec(memory_space=pltpu.SMEM),
        out_shape=jax.ShapeDtypeStruct((1, 1), jnp.float32),
    )(hists)


def kernel(z, embedding):
    B, D, T = z.shape
    idx3, loss = _tc_distance_argmin(z, embedding)
    z_vq, hists = _sc_gather_hist(embedding, idx3)
    perp = _finalize_perp(hists)
    z_out = jnp.transpose(z_vq.reshape(B, T, D), (0, 2, 1))
    scalar_loss = loss[0, 0]
    return (z_out, scalar_loss, scalar_loss, perp[0, 0])

# --- scband reference (transcript-rebuilt; emitter-appended) ---
"""Pipeline reference for scband-vector-quantizer-12945031430910 (READ-ONLY COPY).

The authoritative reference and input builder live on the scoring server;
editing this copy changes nothing except your own understanding.
"""

import jax, jax.numpy as jnp
import numpy as np

Z_NUM = 8192
Z_DIM = 256

def setup_inputs(seed: int = 0) -> dict:
    key = jax.random.key(seed)
    k1, k2 = jax.random.split(key)
    z = jax.random.normal(k1, (16, 256, 256), dtype=jnp.float32)
    embedding = jax.random.normal(k2, (Z_NUM, Z_DIM), dtype=jnp.float32)
    return {"z": z, "embedding": embedding}

def reference(z, embedding):
    # time_last=True path: z is [B, D, T]
    B, D, T = z.shape
    zf = jnp.transpose(z, (0, 2, 1)).reshape(-1, D)
    # target_norm is None (normalize=False), so z_norm = zf, emb = embedding
    distances = (jnp.sum(zf ** 2, axis=1, keepdims=True)
                 + jnp.sum(embedding ** 2, axis=1)
                 - 2.0 * jnp.matmul(zf, embedding.T))
    encoding_idx = jnp.argmin(distances, axis=1)
    z_vq = jnp.take(embedding, encoding_idx, axis=0)
    # training=True path, mask=None
    encodings = jax.nn.one_hot(encoding_idx, Z_NUM + 1, dtype=jnp.float32)
    mean_factor = encodings.shape[0]
    avg_probs = jnp.sum(encodings[:, :-1], axis=0) / mean_factor
    perplexity = jnp.exp(-jnp.sum(avg_probs * jnp.log(avg_probs + 1e-10)))
    z_qut_loss = jnp.mean((z_vq - jax.lax.stop_gradient(zf)) ** 2)
    z_enc_loss = jnp.mean((jax.lax.stop_gradient(z_vq) - zf) ** 2)
    # straight-through estimator
    z_vq_st = zf + jax.lax.stop_gradient(z_vq - zf)
    z_out = jnp.transpose(z_vq_st.reshape(B, T, D), (0, 2, 1))
    return (z_out, z_qut_loss, z_enc_loss, perplexity)

if __name__ == "__main__":
    import jax
    _d = setup_inputs()
    print(jax.jit(kernel)(*tuple(_d.values())))

</pallas_src>

<mosaic_0001>
#map = affine_map<(d0, d1) -> (0, 0)>
#map1 = affine_map<(d0, d1) -> (0, 0, 0)>
module attributes {stable_mosaic.version = 14 : i64} {
  func.func @k(%arg0: i32, %arg1: i32, %arg2: memref<8192x256xf32, #tpu.memory_space<hbm>>, %arg3: memref<16x1x256xi32, #tpu.memory_space<hbm>>, %arg4: memref<4096x256xf32, #tpu.memory_space<hbm>>, %arg5: memref<2x8192xf32, #tpu.memory_space<hbm>>, %arg6: memref<128xi32, #tpu.memory_space<vmem>>, %arg7: memref<128x256xf32, #tpu.memory_space<vmem>>, %arg8: memref<128xf32, #tpu.memory_space<vmem>>, %arg9: memref<512xf32, #tpu.memory_space<vmem>>, %arg10: memref<8192xf32, #tpu.memory_space<vmem_shared>>, %arg11: memref<!tpu.dma_semaphore, #tpu.memory_space<semaphore_mem>>) attributes {dimension_semantics = [#tpu.dimension_semantics<core_parallel>, #tpu.dimension_semantics<subcore_parallel>], iteration_bounds = array<i64: 2, 16>, scalar_prefetch = 0 : i64, scratch_operands = 6 : i64, tpu.core_type = #tpu.core_type<sc_vector_subcore>, window_params = [{transform_indices = #map}, {transform_indices = #map1}, {transform_indices = #map}, {transform_indices = #map}]} {
    %mul3A = arith.constant 2 : i32
    %mul3A_0 = arith.muli %arg1, %mul3A : i32
    %add3A = arith.addi %mul3A_0, %arg0 : i32
    %mul3A_1 = arith.constant 128 : i32
    %mul3A_2 = arith.muli %add3A, %mul3A_1 : i32
    %jit3A = arith.constant 2 : i32
    %div3A = arith.divsi %add3A, %jit3A : i32
    %sign3A = arith.constant 0 : i32
    %sign3A_3 = arith.cmpi sgt, %add3A, %sign3A : i32
    %sign3A_4 = arith.extui %sign3A_3 : i1 to i32
    %sign3A_5 = arith.constant 0 : i32
    %sign3A_6 = arith.cmpi slt, %add3A, %sign3A_5 : i32
    %sign3A_7 = arith.extui %sign3A_6 : i1 to i32
    %sign3A_8 = arith.subi %sign3A_4, %sign3A_7 : i32
    %sign3A_9 = arith.constant 0 : i32
    %sign3A_10 = arith.cmpi sgt, %jit3A, %sign3A_9 : i32
    %sign3A_11 = arith.extui %sign3A_10 : i1 to i32
    %sign3A_12 = arith.constant 0 : i32
    %sign3A_13 = arith.cmpi slt, %jit3A, %sign3A_12 : i32
    %sign3A_14 = arith.extui %sign3A_13 : i1 to i32
    %sign3A_15 = arith.subi %sign3A_11, %sign3A_14 : i32
    %ne3A = arith.cmpi ne, %sign3A_8, %sign3A_15 : i32
    %rem3A = arith.remsi %add3A, %jit3A : i32
    %ne3A_16 = arith.constant 0 : i32
    %ne3A_17 = arith.cmpi ne, %rem3A, %ne3A_16 : i32
    %and3A = arith.andi %ne3A, %ne3A_17 : i1
    %sub3A = arith.constant 1 : i32
    %sub3A_18 = arith.subi %div3A, %sub3A : i32
    %select_n3A = arith.select %and3A, %sub3A_18, %div3A : i32
    %jit3A_19 = arith.constant 2 : i32
    %eq3A = arith.constant 0 : i32
    %eq3A_20 = arith.cmpi eq, %jit3A_19, %eq3A : i32
    %jit3A_21 = arith.constant 1 : i32
    %select_n3A_22 = arith.select %eq3A_20, %jit3A_21, %jit3A_19 : i32
    %rem3A_23 = arith.remsi %add3A, %select_n3A_22 : i32
    %ne3A_24 = arith.constant 0 : i32
    %ne3A_25 = arith.cmpi ne, %rem3A_23, %ne3A_24 : i32
    %lt3A = arith.constant 0 : i32
    %lt3A_26 = arith.cmpi slt, %rem3A_23, %lt3A : i32
    %lt3A_27 = arith.constant 0 : i32
    %lt3A_28 = arith.cmpi slt, %select_n3A_22, %lt3A_27 : i32
    %ne3A_29 = arith.xori %lt3A_26, %lt3A_28 : i1
    %and3A_30 = arith.andi %ne3A_29, %ne3A_25 : i1
    %add3A_31 = arith.addi %rem3A_23, %select_n3A_22 : i32
    %select_n3A_32 = arith.select %and3A_30, %add3A_31, %rem3A_23 : i32
    %mul3A_33 = arith.constant 128 : i32
    %mul3A_34 = arith.muli %select_n3A_32, %mul3A_33 : i32
    %run_scoped3A = arith.constant 0 : i32
    "tpu.region"() ({
      %run_scoped3A_59 = tpu.sem_alloc : memref<!tpu.dma_semaphore, #tpu.memory_space<semaphore_mem>>
      %dma_start3A_60 = tpu.memref_slice %arg3[%select_n3A, %run_scoped3A, %mul3A_34] : memref<16x1x256xi32, #tpu.memory_space<hbm>> -> memref<1x1x128xi32, #tpu.memory_space<hbm>>
      %dma_start3A_61 = tpu.memref_squeeze %dma_start3A_60 : memref<1x1x128xi32, #tpu.memory_space<hbm>> -> memref<128xi32, #tpu.memory_space<hbm>>
      %dma_start3A_62 = tpu.memref_slice %arg3[%select_n3A, %run_scoped3A, %mul3A_34] : memref<16x1x256xi32, #tpu.memory_space<hbm>> -> memref<1x1x128xi32, #tpu.memory_space<hbm>>
      %dma_start3A_63 = tpu.memref_squeeze %dma_start3A_62 : memref<1x1x128xi32, #tpu.memory_space<hbm>> -> memref<128xi32, #tpu.memory_space<hbm>>
      tpu.enqueue_dma source(%dma_start3A_63 : memref<128xi32, #tpu.memory_space<hbm>>) target(%arg6 : memref<128xi32, #tpu.memory_space<vmem>>) target_semaphore(%run_scoped3A_59 : memref<!tpu.dma_semaphore, #tpu.memory_space<semaphore_mem>>)
      %dma_wait3A_64 = tpu.memref_slice %arg3[%select_n3A, %run_scoped3A, %mul3A_34] : memref<16x1x256xi32, #tpu.memory_space<hbm>> -> memref<1x1x128xi32, #tpu.memory_space<hbm>>
      %dma_wait3A_65 = tpu.memref_squeeze %dma_wait3A_64 : memref<1x1x128xi32, #tpu.memory_space<hbm>> -> memref<128xi32, #tpu.memory_space<hbm>>
      %dma_wait3A_66 = tpu.memref_slice %arg3[%select_n3A, %run_scoped3A, %mul3A_34] : memref<16x1x256xi32, #tpu.memory_space<hbm>> -> memref<1x1x128xi32, #tpu.memory_space<hbm>>
      %dma_wait3A_67 = tpu.memref_squeeze %dma_wait3A_66 : memref<1x1x128xi32, #tpu.memory_space<hbm>> -> memref<128xi32, #tpu.memory_space<hbm>>
      tpu.wait_dma2 semaphore(%run_scoped3A_59 : memref<!tpu.dma_semaphore, #tpu.memory_space<semaphore_mem>>) src(%dma_wait3A_67 : memref<128xi32, #tpu.memory_space<hbm>>) dst(%arg6 : memref<128xi32, #tpu.memory_space<vmem>>)
      tpu.yield
    }) : () -> ()
    %dma_start3A = arith.constant 0 : i32
    %dma_start3A_35 = arith.constant 0 : i32
    %dma_start3A_36 = tpu.memref_slice %arg2[%dma_start3A, %dma_start3A_35] : memref<8192x256xf32, #tpu.memory_space<hbm>> -> memref<8192x256xf32, #tpu.memory_space<hbm>>
    tpu.enqueue_indirect_dma source(%dma_start3A_36 : memref<8192x256xf32, #tpu.memory_space<hbm>>) target(%arg7 : memref<128x256xf32, #tpu.memory_space<vmem>>) offsets(%arg6 : memref<128xi32, #tpu.memory_space<vmem>>) semaphore(%arg11 : memref<!tpu.dma_semaphore, #tpu.memory_space<semaphore_mem>>)
    %broadcast_in_dim3A = arith.constant 1.000000e+00 : f32
    %broadcast_in_dim3A_37 = vector.broadcast %broadcast_in_dim3A : f32 to vector<16xf32>
    %scan3A = arith.constant 0 : i32
    %scan3A_38 = arith.constant 0 : i32
    %scan3A_39 = arith.constant 8 : i32
    %scan3A_40 = arith.addi %scan3A_38, %scan3A_39 : i32
    %scan3A_41 = arith.constant 1 : i32
    scf.for %scan3A_59 = %scan3A_38 to %scan3A_40 step %scan3A_41  : i32 {
      %mul3A_60 = arith.constant 16 : i32
      %mul3A_61 = arith.muli %scan3A_59, %mul3A_60 : i32
      %swap3A = arith.index_cast %mul3A_61 : i32 to index
      %swap3A_62 = tpu.vector_load %arg8[%swap3A] {strides = array<i32>} : memref<128xf32, #tpu.memory_space<vmem>>, vector<16xf32>,
      %swap3A_63 = vector.shape_cast %swap3A_62 : vector<16xf32> to vector<16xf32>
      %swap3A_64 = vector.shape_cast %broadcast_in_dim3A_37 : vector<16xf32> to vector<16xf32>
      tpu.vector_store %arg8[%swap3A], %swap3A_64 {strides = array<i32>} : memref<128xf32, #tpu.memory_space<vmem>>, vector<16xf32>,
    }
    %scan3A_42 = arith.constant 8 : i32
    %broadcast_in_dim3A_43 = arith.constant 0.000000e+00 : f32
    %broadcast_in_dim3A_44 = vector.broadcast %broadcast_in_dim3A_43 : f32 to vector<16xf32>
    %scan3A_45 = arith.constant 0 : i32
    %scan3A_46 = arith.constant 0 : i32
    %scan3A_47 = arith.constant 32 : i32
    %scan3A_48 = arith.addi %scan3A_46, %scan3A_47 : i32
    %scan3A_49 = arith.constant 1 : i32
    scf.for %scan3A_59 = %scan3A_46 to %scan3A_48 step %scan3A_49  : i32 {
      %mul3A_60 = arith.constant 16 : i32
      %mul3A_61 = arith.muli %scan3A_59, %mul3A_60 : i32
      %swap3A = arith.index_cast %mul3A_61 : i32 to index
      %swap3A_62 = tpu.vector_load %arg9[%swap3A] {strides = array<i32>} : memref<512xf32, #tpu.memory_space<vmem>>, vector<16xf32>,
      %swap3A_63 = vector.shape_cast %swap3A_62 : vector<16xf32> to vector<16xf32>
      %swap3A_64 = vector.shape_cast %broadcast_in_dim3A_44 : vector<16xf32> to vector<16xf32>
      tpu.vector_store %arg9[%swap3A], %swap3A_64 {strides = array<i32>} : memref<512xf32, #tpu.memory_space<vmem>>, vector<16xf32>,
    }
    %scan3A_50 = arith.constant 32 : i32
    %mul3A_51 = arith.constant 512 : i32
    %mul3A_52 = arith.muli %arg1, %mul3A_51 : i32
    "tpu.region"() ({
      %run_scoped3A_59 = tpu.sem_alloc : memref<!tpu.dma_semaphore, #tpu.memory_space<semaphore_mem>>
      %dma_start3A_60 = tpu.memref_slice %arg10[%mul3A_52] : memref<8192xf32, #tpu.memory_space<vmem_shared>> -> memref<512xf32, #tpu.memory_space<vmem_shared>>
      %dma_start3A_61 = tpu.memref_slice %arg10[%mul3A_52] : memref<8192xf32, #tpu.memory_space<vmem_shared>> -> memref<512xf32, #tpu.memory_space<vmem_shared>>
      tpu.enqueue_dma source(%arg9 : memref<512xf32, #tpu.memory_space<vmem>>) target(%dma_start3A_61 : memref<512xf32, #tpu.memory_space<vmem_shared>>) target_semaphore(%run_scoped3A_59 : memref<!tpu.dma_semaphore, #tpu.memory_space<semaphore_mem>>)
      %dma_wait3A_62 = tpu.memref_slice %arg10[%mul3A_52] : memref<8192xf32, #tpu.memory_space<vmem_shared>> -> memref<512xf32, #tpu.memory_space<vmem_shared>>
      %dma_wait3A_63 = tpu.memref_slice %arg10[%mul3A_52] : memref<8192xf32, #tpu.memory_space<vmem_shared>> -> memref<512xf32, #tpu.memory_space<vmem_shared>>
      tpu.wait_dma2 semaphore(%run_scoped3A_59 : memref<!tpu.dma_semaphore, #tpu.memory_space<semaphore_mem>>) src(%arg9 : memref<512xf32, #tpu.memory_space<vmem>>) dst(%dma_wait3A_63 : memref<512xf32, #tpu.memory_space<vmem_shared>>)
      tpu.yield
    }) : () -> ()
    %barrier3A = arith.constant 0 : index
    tpu.barrier barrier_id(%barrier3A)
    "tpu.region"() ({
      %run_scoped3A_59 = tpu.sem_alloc : memref<!tpu.dma_semaphore, #tpu.memory_space<semaphore_mem>>
      %dma_start3A_60 = arith.constant 0 : i32
      %dma_start3A_61 = tpu.memref_slice %arg10[%dma_start3A_60] : memref<8192xf32, #tpu.memory_space<vmem_shared>> -> memref<8192xf32, #tpu.memory_space<vmem_shared>>
      tpu.enqueue_indirect_dma source(%arg8 : memref<128xf32, #tpu.memory_space<vmem>>) target(%dma_start3A_61 : memref<8192xf32, #tpu.memory_space<vmem_shared>>) offsets(%arg6 : memref<128xi32, #tpu.memory_space<vmem>>) semaphore(%run_scoped3A_59 : memref<!tpu.dma_semaphore, #tpu.memory_space<semaphore_mem>>) {add = true}
      %dma_wait3A_62 = arith.constant 0 : i32
      %dma_wait3A_63 = tpu.memref_slice %arg10[%dma_wait3A_62] : memref<8192xf32, #tpu.memory_space<vmem_shared>> -> memref<8192xf32, #tpu.memory_space<vmem_shared>>
      tpu.wait_indirect_dma semaphore(%run_scoped3A_59 : memref<!tpu.dma_semaphore, #tpu.memory_space<semaphore_mem>>) src(%arg8 : memref<128xf32, #tpu.memory_space<vmem>>) dst(%dma_wait3A_63 : memref<8192xf32, #tpu.memory_space<vmem_shared>>)
      tpu.yield
    }) : () -> ()
    %barrier3A_53 = arith.constant 0 : index
    tpu.barrier barrier_id(%barrier3A_53)
    %eq3A_54 = arith.constant 0 : i32
    %eq3A_55 = arith.cmpi eq, %arg1, %eq3A_54 : i32
    %convert_element_type3A = arith.extui %eq3A_55 : i1 to i32
    %cond3A = arith.constant 0 : i32
    %cond3A_56 = arith.cmpi ne, %convert_element_type3A, %cond3A : i32
    scf.if %cond3A_56 {
      "tpu.region"() ({
        %run_scoped3A_59 = tpu.sem_alloc : memref<!tpu.dma_semaphore, #tpu.memory_space<semaphore_mem>>
        %dma_start3A_60 = arith.constant 0 : i32
        %dma_start3A_61 = tpu.memref_slice %arg5[%arg0, %dma_start3A_60] : memref<2x8192xf32, #tpu.memory_space<hbm>> -> memref<1x8192xf32, #tpu.memory_space<hbm>>
        %dma_start3A_62 = tpu.memref_squeeze %dma_start3A_61 : memref<1x8192xf32, #tpu.memory_space<hbm>> -> memref<8192xf32, #tpu.memory_space<hbm>>
        tpu.enqueue_dma source(%arg10 : memref<8192xf32, #tpu.memory_space<vmem_shared>>) target(%dma_start3A_62 : memref<8192xf32, #tpu.memory_space<hbm>>) target_semaphore(%run_scoped3A_59 : memref<!tpu.dma_semaphore, #tpu.memory_space<semaphore_mem>>)
        %dma_wait3A_63 = arith.constant 0 : i32
        %dma_wait3A_64 = tpu.memref_slice %arg5[%arg0, %dma_wait3A_63] : memref<2x8192xf32, #tpu.memory_space<hbm>> -> memref<1x8192xf32, #tpu.memory_space<hbm>>
        %dma_wait3A_65 = tpu.memref_squeeze %dma_wait3A_64 : memref<1x8192xf32, #tpu.memory_space<hbm>> -> memref<8192xf32, #tpu.memory_space<hbm>>
        tpu.wait_dma2 semaphore(%run_scoped3A_59 : memref<!tpu.dma_semaphore, #tpu.memory_space<semaphore_mem>>) src(%arg10 : memref<8192xf32, #tpu.memory_space<vmem_shared>>) dst(%dma_wait3A_65 : memref<8192xf32, #tpu.memory_space<hbm>>)
        tpu.yield
      }) : () -> ()
    } else {
    }
    %dma_wait3A = arith.constant 0 : i32
    %dma_wait3A_57 = arith.constant 0 : i32
    %dma_wait3A_58 = tpu.memref_slice %arg2[%dma_wait3A, %dma_wait3A_57] : memref<8192x256xf32, #tpu.memory_space<hbm>> -> memref<8192x256xf32, #tpu.memory_space<hbm>>
    tpu.wait_indirect_dma semaphore(%arg11 : memref<!tpu.dma_semaphore, #tpu.memory_space<semaphore_mem>>) src(%dma_wait3A_58 : memref<8192x256xf32, #tpu.memory_space<hbm>>) dst(%arg7 : memref<128x256xf32, #tpu.memory_space<vmem>>)
    "tpu.region"() ({
      %run_scoped3A_59 = tpu.sem_alloc : memref<!tpu.dma_semaphore, #tpu.memory_space<semaphore_mem>>
      %dma_start3A_60 = arith.constant 0 : i32
      %dma_start3A_61 = tpu.memref_slice %arg4[%mul3A_2, %dma_start3A_60] : memref<4096x256xf32, #tpu.memory_space<hbm>> -> memref<128x256xf32, #tpu.memory_space<hbm>>
      %dma_start3A_62 = arith.constant 0 : i32
      %dma_start3A_63 = tpu.memref_slice %arg4[%mul3A_2, %dma_start3A_62] : memref<4096x256xf32, #tpu.memory_space<hbm>> -> memref<128x256xf32, #tpu.memory_space<hbm>>
      tpu.enqueue_dma source(%arg7 : memref<128x256xf32, #tpu.memory_space<vmem>>) target(%dma_start3A_63 : memref<128x256xf32, #tpu.memory_space<hbm>>) target_semaphore(%run_scoped3A_59 : memref<!tpu.dma_semaphore, #tpu.memory_space<semaphore_mem>>)
      %dma_wait3A_64 = arith.constant 0 : i32
      %dma_wait3A_65 = tpu.memref_slice %arg4[%mul3A_2, %dma_wait3A_64] : memref<4096x256xf32, #tpu.memory_space<hbm>> -> memref<128x256xf32, #tpu.memory_space<hbm>>
      %dma_wait3A_66 = arith.constant 0 : i32
      %dma_wait3A_67 = tpu.memref_slice %arg4[%mul3A_2, %dma_wait3A_66] : memref<4096x256xf32, #tpu.memory_space<hbm>> -> memref<128x256xf32, #tpu.memory_space<hbm>>
      tpu.wait_dma2 semaphore(%run_scoped3A_59 : memref<!tpu.dma_semaphore, #tpu.memory_space<semaphore_mem>>) src(%arg7 : memref<128x256xf32, #tpu.memory_space<vmem>>) dst(%dma_wait3A_67 : memref<128x256xf32, #tpu.memory_space<hbm>>)
      tpu.yield
    }) : () -> ()
    return
  }
}

module attributes {stable_mosaic.version = 14 : i64} {
  func.func @_fin_body(%arg0: memref<2x8192xf32, #tpu.memory_space<vmem>>, %arg1: memref<1x1xf32, #tpu.memory_space<smem>>) attributes {dimension_semantics = [], scalar_prefetch = 0 : i64, scratch_operands = 0 : i64, tpu.core_type = #tpu.core_type<tc>} {
    %get3A = arith.constant 0 : index
    %get3A_0 = arith.constant 0 : index
    %get3A_1 = vector.load %arg0[%get3A, %get3A_0] : memref<2x8192xf32, #tpu.memory_space<vmem>>, vector<2x8192xf32>
    %reduce_sum3A = arith.constant dense<0.000000e+00> : vector<8192xf32>
    %reduce_sum3A_2 = vector.multi_reduction <add>, %get3A_1, %reduce_sum3A [0] : vector<2x8192xf32> to vector<8192xf32>
    %broadcast_in_dim3A = vector.shape_cast %reduce_sum3A_2 : vector<8192xf32> to vector<1x8192xf32>
    %div3A = arith.constant 4.096000e+03 : f32
    %div3A_3 = vector.broadcast %div3A : f32 to vector<1x8192xf32>
    %div3A_4 = arith.divf %broadcast_in_dim3A, %div3A_3 : vector<1x8192xf32>
    %add3A = arith.constant 1.000000e-10 : f32
    %add3A_5 = vector.broadcast %add3A : f32 to vector<1x8192xf32>
    %add3A_6 = arith.addf %div3A_4, %add3A_5 : vector<1x8192xf32>
    %log3A = math.log %add3A_6 : vector<1x8192xf32>
    %mul3A = arith.mulf %div3A_4, %log3A : vector<1x8192xf32>
    %reduce_sum3A_7 = vector.shape_cast %mul3A : vector<1x8192xf32> to vector<1x1x8192xf32>
    %reduce_sum3A_8 = arith.constant dense<0.000000e+00> : vector<1xf32>
    %reduce_sum3A_9 = vector.multi_reduction <add>, %reduce_sum3A_7, %reduce_sum3A_8 [1, 2] : vector<1x1x8192xf32> to vector<1xf32>
    %reduce_sum3A_10 = vector.shape_cast %reduce_sum3A_9 : vector<1xf32> to vector<1x1x1xf32>
    %reduce_sum3A_11 = vector.extract %reduce_sum3A_10[0, 0, 0] : f32 from vector<1x1x1xf32>
    %neg3A = arith.constant 0.000000e+00 : f32
    %neg3A_12 = arith.subf %neg3A, %reduce_sum3A_11 : f32
    %exp3A = math.exp %neg3A_12 : f32
    %swap3A = arith.constant 0 : index
    %swap3A_13 = arith.constant 0 : index
    %swap3A_14 = memref.load %arg1[%swap3A, %swap3A_13] : memref<1x1xf32, #tpu.memory_space<smem>>
    memref.store %exp3A, %arg1[%swap3A, %swap3A_13] : memref<1x1xf32, #tpu.memory_space<smem>>
    return
  }
}

module attributes {stable_mosaic.version = 14 : i64} {
  func.func @_tc_body(%arg0: i32, %arg1: memref<1x256x256xf32, #tpu.memory_space<vmem>>, %arg2: memref<8192x256xf32, #tpu.memory_space<vmem>>, %arg3: memref<1x1x256xi32, #tpu.memory_space<vmem>>, %arg4: memref<1x1xf32, #tpu.memory_space<smem>>, %arg5: memref<8192x256xf32, #tpu.memory_space<vmem>>, %arg6: memref<8192x1xf32, #tpu.memory_space<vmem>>, %arg7: memref<1x1xf32, #tpu.memory_space<smem>>) attributes {dimension_semantics = [#tpu.dimension_semantics<arbitrary>], iteration_bounds = array<i64: 16>, scalar_prefetch = 0 : i64, scratch_operands = 3 : i64, tpu.core_type = #tpu.core_type<tc>, window_params = [{transform_indices = @transform_0, window_bounds = array<i64: 1, 256, 256>}, {pipeline_mode = #tpu.pipeline_mode<synchronous>, transform_indices = @transform_1, window_bounds = array<i64: 8192, 256>}, {transform_indices = @transform_2, window_bounds = array<i64: 1, 1, 256>}, {transform_indices = @transform_3, window_bounds = array<i64: 1, 1>}]} {
    %eq3A = arith.constant 0 : i32
    %eq3A_0 = arith.cmpi eq, %arg0, %eq3A : i32
    %convert_element_type3A = arith.extui %eq3A_0 : i1 to i32
    %cond3A = arith.constant 0 : i32
    %cond3A_1 = arith.cmpi ne, %convert_element_type3A, %cond3A : i32
    scf.if %cond3A_1 {
      %get3A_41 = arith.constant 0 : index
      %get3A_42 = arith.constant 0 : index
      %get3A_43 = vector.load %arg2[%get3A_41, %get3A_42] : memref<8192x256xf32, #tpu.memory_space<vmem>>, vector<8192x256xf32>
      %mul3A_44 = arith.constant -2.000000e+00 : f32
      %mul3A_45 = vector.broadcast %mul3A_44 : f32 to vector<8192x256xf32>
      %mul3A_46 = arith.mulf %get3A_43, %mul3A_45 : vector<8192x256xf32>
      %swap3A_47 = arith.constant 0 : index
      %swap3A_48 = arith.constant 0 : index
      %swap3A_49 = vector.load %arg5[%swap3A_47, %swap3A_48] : memref<8192x256xf32, #tpu.memory_space<vmem>>, vector<8192x256xf32>
      tpu.vector_store %arg5[%swap3A_47, %swap3A_48], %mul3A_46 {strides = array<i32>} : memref<8192x256xf32, #tpu.memory_space<vmem>>, vector<8192x256xf32>,
      %mul3A_50 = arith.mulf %get3A_43, %get3A_43 : vector<8192x256xf32>
      %reduce_sum3A_51 = arith.constant dense<0.000000e+00> : vector<8192xf32>
      %reduce_sum3A_52 = vector.multi_reduction <add>, %mul3A_50, %reduce_sum3A_51 [1] : vector<8192x256xf32> to vector<8192xf32>
      %broadcast_in_dim3A_53 = vector.shape_cast %reduce_sum3A_52 : vector<8192xf32> to vector<8192x1xf32>
      %swap3A_54 = arith.constant 0 : index
      %swap3A_55 = arith.constant 0 : index
      %swap3A_56 = vector.load %arg6[%swap3A_54, %swap3A_55] : memref<8192x1xf32, #tpu.memory_space<vmem>>, vector<8192x1xf32>
      tpu.vector_store %arg6[%swap3A_54, %swap3A_55], %broadcast_in_dim3A_53 {strides = array<i32>} : memref<8192x1xf32, #tpu.memory_space<vmem>>, vector<8192x1xf32>,
      %swap3A_57 = arith.constant 0.000000e+00 : f32
      %swap3A_58 = arith.constant 0 : index
      %swap3A_59 = arith.constant 0 : index
      %swap3A_60 = memref.load %arg7[%swap3A_58, %swap3A_59] : memref<1x1xf32, #tpu.memory_space<smem>>
      memref.store %swap3A_57, %arg7[%swap3A_58, %swap3A_59] : memref<1x1xf32, #tpu.memory_space<smem>>
    } else {
    }
    %get3A = arith.constant 0 : index
    %get3A_2 = arith.constant 0 : index
    %get3A_3 = arith.constant 0 : index
    %get3A_4 = vector.load %arg1[%get3A, %get3A_2, %get3A_3] : memref<1x256x256xf32, #tpu.memory_space<vmem>>, vector<1x256x256xf32>
    %get3A_5 = vector.shape_cast %get3A_4 : vector<1x256x256xf32> to vector<256x256xf32>
    %mul3A = arith.mulf %get3A_5, %get3A_5 : vector<256x256xf32>
    %reduce_sum3A = arith.constant dense<0.000000e+00> : vector<256xf32>
    %reduce_sum3A_6 = vector.multi_reduction <add>, %mul3A, %reduce_sum3A [0] : vector<256x256xf32> to vector<256xf32>
    %broadcast_in_dim3A = vector.shape_cast %reduce_sum3A_6 : vector<256xf32> to vector<1x256xf32>
    %get3A_7 = arith.constant 0 : index
    %get3A_8 = arith.constant 0 : index
    %get3A_9 = vector.load %arg5[%get3A_7, %get3A_8] : memref<8192x256xf32, #tpu.memory_space<vmem>>, vector<8192x256xf32>
    %dot_general3A = arith.constant dense<0.000000e+00> : vector<8192x256xf32>
    %dot_general3A_10 = tpu.matmul %get3A_9, %get3A_5, %dot_general3A {dimension_numbers = #tpu.dot_dimension_numbers<[1], [0], [0], [1], [0, 0, 1, 1], [], []>, transpose_lhs_hint = false} : vector<8192x256xf32>, vector<256x256xf32>, vector<8192x256xf32> -> vector<8192x256xf32>
    %get3A_11 = arith.constant 0 : index
    %get3A_12 = arith.constant 0 : index
    %get3A_13 = vector.load %arg6[%get3A_11, %get3A_12] : memref<8192x1xf32, #tpu.memory_space<vmem>>, vector<8192x1xf32>
    %add3A = vector.broadcast %broadcast_in_dim3A : vector<1x256xf32> to vector<8192x256xf32>
    %add3A_14 = vector.broadcast %get3A_13 : vector<8192x1xf32> to vector<8192x256xf32>
    %add3A_15 = arith.addf %add3A, %add3A_14 : vector<8192x256xf32>
    %add3A_16 = arith.addf %add3A_15, %dot_general3A_10 : vector<8192x256xf32>
    %reduce_min3A = arith.constant dense<0x7F800000> : vector<256xf32>
    %reduce_min3A_17 = vector.multi_reduction <minimumf>, %add3A_16, %reduce_min3A [0] : vector<8192x256xf32> to vector<256xf32>
    %broadcast_in_dim3A_18 = vector.shape_cast %reduce_min3A_17 : vector<256xf32> to vector<1x256xf32>
    %argmin3A = tpu.reduce_index %add3A_16 {axis = 0 : i32, kind = #tpu.reduction_kind<arg_min>} : vector<8192x256xf32> -> vector<256xi32>
    %reshape3A = vector.shape_cast %argmin3A : vector<256xi32> to vector<1x256xi32>
    %swap3A = arith.constant 0 : index
    %swap3A_19 = arith.constant 0 : index
    %swap3A_20 = arith.constant 0 : index
    %swap3A_21 = vector.load %arg3[%swap3A, %swap3A_19, %swap3A_20] : memref<1x1x256xi32, #tpu.memory_space<vmem>>, vector<1x1x256xi32>
    %swap3A_22 = vector.shape_cast %swap3A_21 : vector<1x1x256xi32> to vector<1x256xi32>
    %swap3A_23 = vector.shape_cast %reshape3A : vector<1x256xi32> to vector<1x1x256xi32>
    tpu.vector_store %arg3[%swap3A, %swap3A_19, %swap3A_20], %swap3A_23 {strides = array<i32>} : memref<1x1x256xi32, #tpu.memory_space<vmem>>, vector<1x1x256xi32>,
    %get3A_24 = arith.constant 0 : index
    %get3A_25 = arith.constant 0 : index
    %get3A_26 = memref.load %arg7[%get3A_24, %get3A_25] : memref<1x1xf32, #tpu.memory_space<smem>>
    %reduce_sum3A_27 = vector.shape_cast %broadcast_in_dim3A_18 : vector<1x256xf32> to vector<1x1x256xf32>
    %reduce_sum3A_28 = arith.constant dense<0.000000e+00> : vector<1xf32>
    %reduce_sum3A_29 = vector.multi_reduction <add>, %reduce_sum3A_27, %reduce_sum3A_28 [1, 2] : vector<1x1x256xf32> to vector<1xf32>
    %reduce_sum3A_30 = vector.shape_cast %reduce_sum3A_29 : vector<1xf32> to vector<1x1x1xf32>
    %reduce_sum3A_31 = vector.extract %reduce_sum3A_30[0, 0, 0] : f32 from vector<1x1x1xf32>
    %add3A_32 = arith.addf %get3A_26, %reduce_sum3A_31 : f32
    %swap3A_33 = arith.constant 0 : index
    %swap3A_34 = arith.constant 0 : index
    %swap3A_35 = memref.load %arg7[%swap3A_33, %swap3A_34] : memref<1x1xf32, #tpu.memory_space<smem>>
    memref.store %add3A_32, %arg7[%swap3A_33, %swap3A_34] : memref<1x1xf32, #tpu.memory_space<smem>>
    %eq3A_36 = arith.constant 15 : i32
    %eq3A_37 = arith.cmpi eq, %arg0, %eq3A_36 : i32
    %convert_element_type3A_38 = arith.extui %eq3A_37 : i1 to i32
    %cond3A_39 = arith.constant 0 : i32
    %cond3A_40 = arith.cmpi ne, %convert_element_type3A_38, %cond3A_39 : i32
    scf.if %cond3A_40 {
      %get3A_41 = arith.constant 0 : index
      %get3A_42 = arith.constant 0 : index
      %get3A_43 = memref.load %arg7[%get3A_41, %get3A_42] : memref<1x1xf32, #tpu.memory_space<smem>>
      %div3A = arith.constant 0x49800000 : f32
      %div3A_44 = arith.divf %get3A_43, %div3A : f32
      %swap3A_45 = arith.constant 0 : index
      %swap3A_46 = arith.constant 0 : index
      %swap3A_47 = memref.load %arg4[%swap3A_45, %swap3A_46] : memref<1x1xf32, #tpu.memory_space<smem>>
      memref.store %div3A_44, %arg4[%swap3A_45, %swap3A_46] : memref<1x1xf32, #tpu.memory_space<smem>>
    } else {
    }
    return
  }
  func.func @transform_0(%arg0: i32) -> (i32, i32, i32) {
    %c0_i32 = arith.constant 0 : i32
    %c0_i32_0 = arith.constant 0 : i32
    %c0_i32_1 = arith.constant 0 : i32
    return %arg0, %c0_i32, %c0_i32_0 : i32, i32, i32
  }
  func.func @transform_1(%arg0: i32) -> (i32, i32) {
    %c0_i32 = arith.constant 0 : i32
    %c0_i32_0 = arith.constant 0 : i32
    %c0_i32_1 = arith.constant 0 : i32
    return %c0_i32, %c0_i32_0 : i32, i32
  }
  func.func @transform_2(%arg0: i32) -> (i32, i32, i32) {
    %c0_i32 = arith.constant 0 : i32
    %c0_i32_0 = arith.constant 0 : i32
    %c0_i32_1 = arith.constant 0 : i32
    return %arg0, %c0_i32, %c0_i32_0 : i32, i32, i32
  }
  func.func @transform_3(%arg0: i32) -> (i32, i32) {
    %c0_i32 = arith.constant 0 : i32
    %c0_i32_0 = arith.constant 0 : i32
    %c0_i32_1 = arith.constant 0 : i32
    return %c0_i32, %c0_i32_0 : i32, i32
  }
}

</mosaic_0001>

<sc_bundles>
// kernel: kernel.5.cloned.1.call-start
scs
__scs_entry_jumppad:
0x0: {  	(pc) =	sbr.rel $0x88, $3  }
0x1: {  	(tag) =	ssettag $0x0;
	lr =	simm.s32 $0x1  }
0x2: {  	[smem:$0x3F9F] =	sst lr;
	_ =	strace $0xD0000000  }
0x3: {  	_ = 	snop  }
0x4: {  	_ = 	snop  }
0x5: {  	_ = 	snop  }
0x6: {  	_ = 	snop  }
0x7: {  	_ = 	snop  }
__scs_overlays_trampoline_lowered:
0x8: {  	[smem:$0x3FAE] =	sst s0  }
0x9: {  	[smem:$0x3FAF] =	sst s1  }
0xa: {  	[smem:$0x3FB0] =	sst s2  }
0xb: {  	[smem:$0x3FB1] =	sst s3  }
0xc: {  	[smem:$0x3FB2] =	sst s4  }
0xd: {  	[smem:$0x3FB3] =	sst s5  }
0xe: {  	[smem:$0x3FB4] =	sst s6  }
0xf: {  	[smem:$0x3FB5] =	sst s7  }
0x10: {  	[smem:$0x3FB6] =	sst s8  }
0x11: {  	[smem:$0x3FB7] =	sst s9;
	s0 =	simm.s32 @!p0 $0x0  }
0x12: {  	s1 =	sld [smem:$0x3F9D];
	s0 =	simm.s32 @p0 $0x1  }
0x13: {  	[smem:$0x3FB8] =	sst s0;
	s0 =	simm.s32 @!p1 $0x0  }
0x14: {  	s2 =	sld [smem:$0x3F9C];
	s0 =	simm.s32 @p1 $0x1  }
0x15: {  	[smem:$0x3FB9] =	sst s0;
	s0 =	simm.s32 @!p2 $0x0  }
0x16: {  	s3 =	sld [smem:$0x3FDB];
	s0 =	simm.s32 @p2 $0x1  }
0x17: {  	s4 =	simm.s32 $0x1BF5;
	[smem:$0x3FBB] =	sst s0  }
0x18: {  	s0 =	sld [smem:$0x3F9E];
	_ =	swait.ge [sflag:s4], $0x0  }
0x19: {  	s7 =	sld [smem:$0x3F9F]  }
0x1a: {  	s8 =	sadd.s32 $0xFFFFE003, lr  }
0x1b: {  	s9 =	sadd.s32 $0xFFFFFEF7, lr;
	s5 =	simm.s32 $0xFFFFFFFF;
	p2 =	slt.u32 s8, $0xFFFFF086  }
0x1c: {  	p1 =	slt.u32 s9, $0xF7A;
	s5 =	simm.s32 @!p2 $0x0  }
0x1d: {  	s5 =	simm.s32 @p1 $0x1;
	p0 =	seq.s32 s7, s2  }
0x1e: {  	s7 =	smul.u32 @!p0 $0xF7A, s2;
	p2 =	seq.s32 @!p0 s5, $0x0  }
0x1f: {  	s9 =	smul.u32 $0xF7A, s1;
	s8 =	simm.s32 @!p0 $0x1BF5;
	p2 =	por !p2, p0  }
0x20: {  	[sflag:s8] =	ssyncset.s32 @!p0 $0xFFFFF086;
	s6 =	sadd.s32 @!p0 s3, s7;
	s7 =	simm.s32 @!p0 $0x108  }
0x21: {  	s3 =	sadd.s32 s3, s9;
	s6 =	sadd.s32 @!p0 $0x88, s6;
	s7 =	simm.s32 @p2 $0x1082  }
0x22: {  	[simem:s7], [sflag:s8] =	dma.local @!p0 [hbm:s6], $0xF7A  }
0x23: {  	s9 =	sor.u32 $0xD0000000, s2;
	s6 =	simm.s32 $0x108;
	_ =	swait.ge @!p0 [sflag:s8], $0x0  }
0x24: {  	s3 =	sadd.s32 $0x88, s3;
	s6 =	simm.s32 @!p1 $0x1082;
	[sflag:s4] =	ssyncset.s32 $0xFFFFF086  }
0x25: {  	[simem:s6], [sflag:s4] =	dma.local [hbm:s3], $0xF7A  }
0x26: {  	[smem:$0x3F9F] =	sst s1;
	(tag) =	ssettag s2;
	_ =	strace s9  }
0x27: {  	s1 =	sld [smem:$0x3FAF]  }
0x28: {  	s2 =	sld [smem:$0x3FB0]  }
0x29: {  	s4 =	sld [smem:$0x3FB2]  }
0x2a: {  	p0 =	seq.s32 s5, $0x0;
	s5 =	sld [smem:$0x3FB3]  }
0x2b: {  	s6 =	sld [smem:$0x3FB4]  }
0x2c: {  	s7 =	sld [smem:$0x3FB5]  }
0x2d: {  	s3 =	simm.s32 $0x108;
	s8 =	sld [smem:$0x3FB6]  }
0x2e: {  	s3 =	simm.s32 @!p0 $0x1082;
	s9 =	sld [smem:$0x3FB7]  }
0x2f: {  	lr =	sadd.s32 s0, s3;
	s0 =	sld [smem:$0x3FAE]  }
0x30: {  	s3 =	sld [smem:$0x3FB1]  }
0x31: {  	[smem:$0x3FBA] =	sst s10  }
0x32: {  	s10 =	sld [smem:$0x3FB8];
	_ =	sdelay $0x3  }
0x33: {  	p0 =	seq.s32 s10, $0x1;
	s10 =	sld [smem:$0x3FBA];
	_ =	sdelay $0x3  }
0x34: {  	[smem:$0x3FBA] =	sst s10  }
0x35: {  	s10 =	sld [smem:$0x3FB9];
	_ =	sdelay $0x3  }
0x36: {  	p1 =	seq.s32 s10, $0x1;
	s10 =	sld [smem:$0x3FBA];
	_ =	sdelay $0x3  }
0x37: {  	[smem:$0x3FBA] =	sst s10  }
0x38: {  	s10 =	sld [smem:$0x3FBB]  }
0x39: {  	_ = 	snop;
	(pc) =	sbr.ind lr, $3  }
0x3a: {  	_ = 	snop  }
0x3b: {  	_ = 	snop  }
0x3c: {  	p2 =	seq.s32 s10, $0x1;
	s10 =	sld [smem:$0x3FBA]  }
0x3d: {  	_ =	shalt  }
0x3e: {  	_ =	shalt  }
0x3f: {  	_ =	shalt  }
0x40: {  	_ =	shalt  }
0x41: {  	_ =	shalt  }
0x42: {  	_ =	shalt  }
0x43: {  	_ =	shalt  }
0x44: {  	_ =	shalt  }
0x45: {  	_ =	shalt  }
0x46: {  	_ =	shalt  }
0x47: {  	_ =	shalt  }
0x48: {  	_ =	shalt  }
0x49: {  	_ =	shalt  }
0x4a: {  	_ =	shalt  }
0x4b: {  	_ =	shalt  }
0x4c: {  	_ =	shalt  }
0x4d: {  	_ =	shalt  }
0x4e: {  	_ =	shalt  }
0x4f: {  	_ =	shalt  }
0x50: {  	_ =	shalt  }
0x51: {  	_ =	shalt  }
0x52: {  	_ =	shalt  }
0x53: {  	_ =	shalt  }
0x54: {  	_ =	shalt  }
0x55: {  	_ =	shalt  }
0x56: {  	_ =	shalt  }
0x57: {  	_ =	shalt  }
0x58: {  	_ =	shalt  }
0x59: {  	_ =	shalt  }
0x5a: {  	_ =	shalt  }
0x5b: {  	_ =	shalt  }
0x5c: {  	_ =	shalt  }
0x5d: {  	_ =	shalt  }
0x5e: {  	_ =	shalt  }
0x5f: {  	_ =	shalt  }
0x60: {  	_ =	shalt  }
0x61: {  	_ =	shalt  }
0x62: {  	_ =	shalt  }
0x63: {  	_ =	shalt  }
0x64: {  	_ =	shalt  }
0x65: {  	_ =	shalt  }
0x66: {  	_ =	shalt  }
0x67: {  	_ =	shalt  }
0x68: {  	_ =	shalt  }
0x69: {  	_ =	shalt  }
0x6a: {  	_ =	shalt  }
0x6b: {  	_ =	shalt  }
0x6c: {  	_ =	shalt  }
0x6d: {  	_ =	shalt  }
0x6e: {  	_ =	shalt  }
0x6f: {  	_ =	shalt  }
0x70: {  	_ =	shalt  }
0x71: {  	_ =	shalt  }
0x72: {  	_ =	shalt  }
0x73: {  	_ =	shalt  }
0x74: {  	_ =	shalt  }
0x75: {  	_ =	shalt  }
0x76: {  	_ =	shalt  }
0x77: {  	_ =	shalt  }
0x78: {  	_ =	shalt  }
0x79: {  	_ =	shalt  }
0x7a: {  	_ =	shalt  }
0x7b: {  	_ =	shalt  }
0x7c: {  	_ =	shalt  }
0x7d: {  	_ =	shalt  }
0x7e: {  	_ =	shalt  }
0x7f: {  	_ =	shalt  }
0x80: {  	_ =	shalt  }
0x81: {  	_ =	shalt  }
0x82: {  	_ =	shalt  }
0x83: {  	_ =	shalt  }
0x84: {  	_ =	shalt  }
0x85: {  	_ =	shalt  }
0x86: {  	_ =	shalt  }
0x87: {  	_ =	shalt  }
.Lfunc_end0:
.L_simem_size_0:
called_computation_lowered:
.L_overlay_start_0:
0x88: {  	s2 =	sld [smem:$0x3FD9]  }
0x89: {  	s3 =	sld [smem:$0x3FFE];
	_ =	sdelay $0x1  }
0x8a: {  	s1 =	srdreg.scid  }
0x8b: {  	s0 =	sand.u32 $0x1, s1  }
0x8c: {  	s14 =	sshll.u32 s0, $0xA;
	s2 =	sadd.s32 s3, s2  }
0x8d: {  	s2 =	sadd.s32 s2, s14  }
0x8e: {  	[smem:$0x3FC6] =	sst s2  }
0x8f: {  	_ = 	snop  }
0x90: {  	s2 =	sld [smem:$0x3FD0];
	_ =	sdelay $0x2  }
0x91: {  	s4 =	simm.s32 $0xA;
	s5 =	simm.s32 $0x10;
	s15 =	sld [smem:$0x3FC8]  }
0x92: {  	[smem:s5], [sflag:s4] =	dma.local [hbm:s2], $0x1  }
0x93: {  	_ =	swait.eq [sflag:s4], $0x1  }
0x94: {  	[sflag:s4] =	ssyncset.done $0x0  }
0x95: {  	[sflag:s4] =	ssyncadd.s32 $0xFFFFFFFF  }
0x96: {  	s16 =	sld [smem:$0x10];
	(tm) =	ssettm $0x1  }
0x97: {  	s17 =	sld [smem:$0x3FFB];
	_ =	sdelay $0x3  }
0x98: {  	_ =	strace s17  }
0x99: {  	s4 =	sld [smem:$0x3FFC];
	_ =	sdelay $0x3  }
0x9a: {  	_ =	strace s4  }
0x9b: {  	s4 =	sld [smem:$0x3FFD];
	_ =	sdelay $0x3  }
0x9c: {  	_ =	strace s4  }
0x9d: {  	_ =	strace $0x8FFFFFFF  }
0x9e: {  	s18 =	sld [smem:$0x3FDB];
	_ =	sdelay $0x1  }
0x9f: {  	s19 =	simm.s32 $_scs_section_size  }
0xa0: {  	s6 =	simm.s32 $_size__tile_overlayer_lowered;
	s7 =	simm.s32 $_tile_overlayer_lowered  }
0xa1: {  	s22 =	simm.s32 $0x1BFF;
	s21 =	sshll.u32 s7, $0x1;
	s4 =	sadd.s32 s19, s18  }
0xa2: {  	s8 =	simm.s32 $0x0;
	s20 =	sshll.u32 s6, $0x1;
	s6 =	sadd.s32 s21, s4  }
0xa3: {  	[timem:s8], [sflag:s22] =	dma.local [hbm:s6], s20  }
0xa4: {  	_ =	swait.ge [sflag:s22], s20  }
0xa5: {  	s5 =	ssub.s32 $0x0, s20;
	[sflag:s22] =	ssyncset.done $0x0  }
0xa6: {  	[sflag:s22] =	ssyncadd.s32 s5;
	_ =	sdelay $0x1  }
0xa7: {  	s23 =	simm.s32 $0x1B8B  }
0xa8: {  	_ =	swait.ge [sflag:s23], $0x1  }
0xa9: {  	[sflag:s23] =	ssyncset.done $0x0  }
0xaa: {  	s25 =	simm.s32 $0x1B8E;
	s24 =	sld [smem:$0x3FFE];
	[sflag:s23] =	ssyncadd.s32 $0xFFFFFFFF  }
0xab: {  	s26 =	simm.s32 $execute0_lowered;
	[smem:$0x3FD2] =	sst s25  }
0xac: {  	s6 =	sshll.u32 s26, $0x1;
	_ =	strace $0x80000046;
	[dreg:$0x1] =	wrdreg $0xFFFFFFFF  }
0xad: {  	s28 =	simm.s32 $_size_execute0_lowered;
	s4 =	sadd.s32 s4, s6;
	[dreg:$0x0] =	wrdreg $0x0  }
0xae: {  	s6 =	sshll.u32 s28, $0x1;
	[dreg:$0x2] =	wrdreg s4  }
0xaf: {  	[dreg:$0x3] =	wrdreg s6  }
0xb0: {  	[dreg:$0x4] =	wrdreg $0xC0  }
0xb1: {  	_ =	task [dreg:s8], $0x5FFFF  }
0xb2: {  	[dreg:$0x1] =	wrdreg $0xFFFFFFFF  }
0xb3: {  	[dreg:$0x0] =	wrdreg $0x60  }
0xb4: {  	[dreg:$0x2] =	wrdreg s15  }
0xb5: {  	[dreg:$0x3] =	wrdreg s24  }
0xb6: {  	[dreg:$0x4] =	wrdreg s16  }
0xb7: {  	[dreg:$0x5] =	wrdreg $0x83000  }
0xb8: {  	[dreg:$0x6] =	wrdreg $0x9  }
0xb9: {  	_ =	task.clear_ibuf [dreg:s8], $0x7FFFF;
	_ =	strace $0x90000046  }
0xba: {  	s29 =	simm.s32 $0x9;
	_ =	strace $0x80000048  }
0xbb: {  	_ =	swait.ge [sflag:s29], $0x1  }
0xbc: {  	[sflag:s29] =	ssyncadd.s32 $0xFFFFFFFF  }
0xbd: {  	_ =	strace $0x90000048  }
0xbe: {  	_ =	sfence  }
0xbf: {  	s30 =	sld [smem:$0x0];
	_ =	sdelay $0x2  }
0xc0: {  	s31 =	sshll.u32 s1, $0xD;
	s1 =	sshrl.u32 s1, $0x2  }
0xc1: {  	s3 =	sand.u32 $0x4000, s31;
	s1 =	sadd.s32 s1, s30  }
0xc2: {  	s0 =	sor.u32 s3, s0;
	s1 =	sshll.u32 s1, $0x11  }
0xc3: {  	s0 =	sor.u32 s1, s0  }
0xc4: {  	s0 =	sadd.s32 $0x8F2B, s0  }
0xc5: {  	[sflag:s0] =	ssyncadd.remote.s32 $0x1  }
0xc6: {  	_ =	sfence.sel $0xFFFF  }
0xc7: {  	[dreg:$0x0] =	wrdreg $0xFFFFFFFF;
	(pc) =	sbr.abs _section_cstart, $3  }
0xc8: {  	[dreg:$0x1] =	wrdreg $0xFFFFFFFF  }
0xc9: {  	_ =	task.clear_ibuf [dreg:s8], $0x2FFFF;
	_ =	strace $0x9FFFFFFF  }
0xca: {  	(tm) =	ssettm $0x7FFFFFFF  }
0xcb: {  	_ =	shalt  }
tec
execute0_lowered:
.L_overlay_start_1:
0x0: {  	(tag) =	ssettag $0x1  }
0x1: {  	s6 =	rddreg [dreg:$0x1]  }
0x2: {  	s0 =	srdreg.scid;
	s8 =	rddreg [dreg:$0x2]  }
0x3: {  	s7 =	stileid.u32;
	s3 =	simm.s32 $0x1;
	s2 =	rddreg [dreg:$0x3]  }
0x4: {  	s12 =	simm.s32 $0x2080;
	s13 =	simm.s32 $0x2880;
	s14 =	simm.s32 $0x3080  }
0x5: {  	s15 =	simm.s32 $0x3880;
	s16 =	simm.s32 $0x4080;
	s17 =	simm.s32 $0x4880  }
0x6: {  	s18 =	simm.s32 $0x5080;
	s19 =	simm.s32 $0x5880;
	s20 =	simm.s32 $0x6080  }
0x7: {  	s21 =	simm.s32 $0x6880;
	s22 =	simm.s32 $0x7080;
	s23 =	simm.s32 $0x7880  }
0x8: {  	s24 =	simm.s32 $0x8100;
	s5 =	sand.u32 $0x1, s0;
	s25 =	sshll.u32 s7, $0x1  }
0x9: {  	s0 =	rddreg [dreg:$0x0];
	s11 =	sshll.u32 s7, $0x9;
	s4 =	sor.u32 s5, s25  }
0xa: {  	p1 =	seq.s32 s5, $0x1;
	s10 =	sshll.u32 s5, $0x7;
	s28 =	ssub.s32 $0x2, s5  }
0xb: {  	s29 =	sadd.s32 s11, s2;
	s5 =	sshll.u32 s5, $0x4;
	p0 =	seq.s32 s4, $0x0  }
0xc: {  	s11 =	simm.s32 $0x1880;
	s25 =	simm.s32 $0x8080;
	p0 =	por !p0, !p1  }
0xd: {  	s26 =	sshll.u32 s4, $0xC;
	s4 =	simm.s32 $0x1;
	p0 =	por !p0, !p0  }
0xe: {  	s30 =	sshrl.u32 s28, $0x1;
	s5 =	sadd.s32 s8, s5;
	s3 =	simm.s32 @!p0 $0x0  }
0xf: {  	s8 =	simm.s32 $0x80;
	s31 =	ssub.s32 s28, s30;
	s9 =	ssub.s32 s7, s3  }
0x10: {  	p0 =	sne.s32 s7, $0x0;
	s3 =	simm.s32 $0x0;
	s9 =	sshll.u32 s9, $0x8  }
0x11: {  	s7 =	simm.s32 $0x2;
	[smem:$0x7FF] =	sst s3;
	s9 =	sor.u32 s10, s9  }
0x12: {  	_ =	strace $0x80000047;
	[dreg:$0x6] =	wrdreg s29;
	s9 =	sshrl.u32 s9, $0x3  }
0x13: {  	v2 =	vlaneseq.u32;
	vm0 =	vmmov $0xffff;
	[dreg:$0x7] =	wrdreg s5;
	s9 =	sadd.s32 s9, s6;
	s6 =	sadd.s32 s26, s6  }
0x14: {  	v3 =	vimm.f32 $1.000000000e+00;
	v4 =	vimm.f32 $0.0e+00;
	v1 =	vshrl.u32 v2, $0x3;
	s10 =	simm.s32 $0x1080;
	s9 =	sadd.s32 $0x1200, s9;
	s5 =	sadd.s32 $0x1400, s6  }
0x15: {  	v0 =	vand.u32 $0x7, v2;
	v2 =	vor.u32 $0x8, v2;
	v1 =	vmul.u32 $0x8, v1;
	s6 =	smax.u32 s31, $0x1;
	[dreg:$0x5] =	wrdreg s9;
	s9 =	simm.s32 $0x880  }
.LBB2_1:
0x16: {  	s26 =	rddreg [dreg:$0x5]  }
0x17: {  	[tilespmem:s3], [sflag:$0x2] =	stream.linear.gather [hbm4b:s26+s3], $0x80, $0x38;
	[tilespmem:$0x8500] =	vst v63  }
0x18: {  	_ =	swait.ge [sflag:s7], $0x80  }
0x19: {  	[sflag:s7] =	ssyncset.done $0x0  }
0x1a: {  	[sflag:s7] =	ssyncadd.s32 $0xFFFFFF80  }
0x1b: {  	v5 =	vld [tilespmem:$0x0];
	_ =	sdelay $0x4  }
0x1c: {  	v6 =	vshll.u32 v5, $0x1  }
0x1d: {  	v5 =	vand.u32 $0x7, v5;
	v6 =	vand.u32 $0xFFFFFFF0, v6  }
0x1e: {  	v5 =	vor.u32 v5, v6  }
0x1f: {  	v6 =	vperm.xlane v5, v0;
	_ =	sdelay $0x1  }
0x20: {  	v5 =	vperm.xlane v5, v2;
	v6 =	vadd.s32 v1, v6;
	_ =	sdelay $0x1  }
0x21: {  	v5 =	vadd.s32 v1, v5;
	_ =	sdelay $0x2  }
0x22: {  	[tilespmem:s8], [sflag:$0x1] =	stream.indirect_vreg.gather [hbm4b:s0+s3], $0x80, v6, vm0, $0xb8;
	[tilespmem:$0x8500] =	vst v63  }
0x23: {  	_ = 	snop  }
0x24: {  	[tilespmem:s9], [sflag:$0x1] =	stream.indirect_vreg.gather [hbm4b:s0+s3], $0x80, v5, vm0, $0xb8;
	[tilespmem:$0x8500] =	vst v63  }
0x25: {  	v5 =	vld [tilespmem:$0x10];
	_ =	sdelay $0x4  }
0x26: {  	v6 =	vshll.u32 v5, $0x1  }
0x27: {  	v5 =	vand.u32 $0x7, v5;
	v6 =	vand.u32 $0xFFFFFFF0, v6  }
0x28: {  	v5 =	vor.u32 v5, v6  }
0x29: {  	v6 =	vperm.xlane v5, v0;
	_ =	sdelay $0x1  }
0x2a: {  	v5 =	vperm.xlane v5, v2;
	v6 =	vadd.s32 v1, v6;
	_ =	sdelay $0x1  }
0x2b: {  	v5 =	vadd.s32 v1, v5;
	_ =	sdelay $0x2  }
0x2c: {  	[tilespmem:s10], [sflag:$0x1] =	stream.indirect_vreg.gather [hbm4b:s0+s3], $0x80, v6, vm0, $0xb8;
	[tilespmem:$0x8500] =	vst v63  }
0x2d: {  	_ = 	snop  }
0x2e: {  	[tilespmem:s11], [sflag:$0x1] =	stream.indirect_vreg.gather [hbm4b:s0+s3], $0x80, v5, vm0, $0xb8;
	[tilespmem:$0x8500] =	vst v63  }
0x2f: {  	v5 =	vld [tilespmem:$0x20];
	_ =	sdelay $0x4  }
0x30: {  	v6 =	vshll.u32 v5, $0x1  }
0x31: {  	v5 =	vand.u32 $0x7, v5;
	v6 =	vand.u32 $0xFFFFFFF0, v6  }
0x32: {  	v5 =	vor.u32 v5, v6  }
0x33: {  	v6 =	vperm.xlane v5, v0;
	_ =	sdelay $0x1  }
0x34: {  	v5 =	vperm.xlane v5, v2;
	v6 =	vadd.s32 v1, v6;
	_ =	sdelay $0x1  }
0x35: {  	v5 =	vadd.s32 v1, v5;
	_ =	sdelay $0x2  }
0x36: {  	[tilespmem:s12], [sflag:$0x1] =	stream.indirect_vreg.gather [hbm4b:s0+s3], $0x80, v6, vm0, $0xb8;
	[tilespmem:$0x8500] =	vst v63  }
0x37: {  	_ = 	snop  }
0x38: {  	[tilespmem:s13], [sflag:$0x1] =	stream.indirect_vreg.gather [hbm4b:s0+s3], $0x80, v5, vm0, $0xb8;
	[tilespmem:$0x8500] =	vst v63  }
0x39: {  	v5 =	vld [tilespmem:$0x30];
	_ =	sdelay $0x4  }
0x3a: {  	v6 =	vshll.u32 v5, $0x1  }
0x3b: {  	v5 =	vand.u32 $0x7, v5;
	v6 =	vand.u32 $0xFFFFFFF0, v6  }
0x3c: {  	v5 =	vor.u32 v5, v6  }
0x3d: {  	v6 =	vperm.xlane v5, v0;
	_ =	sdelay $0x1  }
0x3e: {  	v5 =	vperm.xlane v5, v2;
	v6 =	vadd.s32 v1, v6;
	_ =	sdelay $0x1  }
0x3f: {  	v5 =	vadd.s32 v1, v5;
	_ =	sdelay $0x2  }
0x40: {  	[tilespmem:s14], [sflag:$0x1] =	stream.indirect_vreg.gather [hbm4b:s0+s3], $0x80, v6, vm0, $0xb8;
	[tilespmem:$0x8500] =	vst v63  }
0x41: {  	_ = 	snop  }
0x42: {  	[tilespmem:s15], [sflag:$0x1] =	stream.indirect_vreg.gather [hbm4b:s0+s3], $0x80, v5, vm0, $0xb8;
	[tilespmem:$0x8500] =	vst v63  }
0x43: {  	v5 =	vld [tilespmem:$0x40];
	_ =	sdelay $0x4  }
0x44: {  	v6 =	vshll.u32 v5, $0x1  }
0x45: {  	v5 =	vand.u32 $0x7, v5;
	v6 =	vand.u32 $0xFFFFFFF0, v6  }
0x46: {  	v5 =	vor.u32 v5, v6  }
0x47: {  	v6 =	vperm.xlane v5, v0;
	_ =	sdelay $0x1  }
0x48: {  	v5 =	vperm.xlane v5, v2;
	v6 =	vadd.s32 v1, v6;
	_ =	sdelay $0x1  }
0x49: {  	v5 =	vadd.s32 v1, v5;
	_ =	sdelay $0x2  }
0x4a: {  	[tilespmem:s16], [sflag:$0x1] =	stream.indirect_vreg.gather [hbm4b:s0+s3], $0x80, v6, vm0, $0xb8;
	[tilespmem:$0x8500] =	vst v63  }
0x4b: {  	_ = 	snop  }
0x4c: {  	[tilespmem:s17], [sflag:$0x1] =	stream.indirect_vreg.gather [hbm4b:s0+s3], $0x80, v5, vm0, $0xb8;
	[tilespmem:$0x8500] =	vst v63  }
0x4d: {  	v5 =	vld [tilespmem:$0x50];
	_ =	sdelay $0x4  }
0x4e: {  	v6 =	vshll.u32 v5, $0x1  }
0x4f: {  	v5 =	vand.u32 $0x7, v5;
	v6 =	vand.u32 $0xFFFFFFF0, v6  }
0x50: {  	v5 =	vor.u32 v5, v6  }
0x51: {  	v6 =	vperm.xlane v5, v0;
	_ =	sdelay $0x1  }
0x52: {  	v5 =	vperm.xlane v5, v2;
	v6 =	vadd.s32 v1, v6;
	_ =	sdelay $0x1  }
0x53: {  	v5 =	vadd.s32 v1, v5;
	_ =	sdelay $0x2  }
0x54: {  	[tilespmem:s18], [sflag:$0x1] =	stream.indirect_vreg.gather [hbm4b:s0+s3], $0x80, v6, vm0, $0xb8;
	[tilespmem:$0x8500] =	vst v63  }
0x55: {  	_ = 	snop  }
0x56: {  	[tilespmem:s19], [sflag:$0x1] =	stream.indirect_vreg.gather [hbm4b:s0+s3], $0x80, v5, vm0, $0xb8;
	[tilespmem:$0x8500] =	vst v63  }
0x57: {  	v5 =	vld [tilespmem:$0x60];
	_ =	sdelay $0x4  }
0x58: {  	v6 =	vshll.u32 v5, $0x1  }
0x59: {  	v5 =	vand.u32 $0x7, v5;
	v6 =	vand.u32 $0xFFFFFFF0, v6  }
0x5a: {  	v5 =	vor.u32 v5, v6  }
0x5b: {  	v6 =	vperm.xlane v5, v0;
	_ =	sdelay $0x1  }
0x5c: {  	v5 =	vperm.xlane v5, v2;
	v6 =	vadd.s32 v1, v6;
	_ =	sdelay $0x1  }
0x5d: {  	v5 =	vadd.s32 v1, v5;
	_ =	sdelay $0x2  }
0x5e: {  	[tilespmem:s20], [sflag:$0x1] =	stream.indirect_vreg.gather [hbm4b:s0+s3], $0x80, v6, vm0, $0xb8;
	[tilespmem:$0x8500] =	vst v63  }
0x5f: {  	_ = 	snop  }
0x60: {  	[tilespmem:s21], [sflag:$0x1] =	stream.indirect_vreg.gather [hbm4b:s0+s3], $0x80, v5, vm0, $0xb8;
	[tilespmem:$0x8500] =	vst v63  }
0x61: {  	v5 =	vld [tilespmem:$0x70];
	_ =	sdelay $0x4  }
0x62: {  	v6 =	vshll.u32 v5, $0x1  }
0x63: {  	v5 =	vand.u32 $0x7, v5;
	v6 =	vand.u32 $0xFFFFFFF0, v6  }
0x64: {  	v5 =	vor.u32 v5, v6  }
0x65: {  	v6 =	vperm.xlane v5, v0;
	_ =	sdelay $0x1  }
0x66: {  	v5 =	vperm.xlane v5, v2;
	v6 =	vadd.s32 v1, v6;
	_ =	sdelay $0x1  }
0x67: {  	v5 =	vadd.s32 v1, v5;
	_ =	sdelay $0x2  }
0x68: {  	[tilespmem:s22], [sflag:$0x1] =	stream.indirect_vreg.gather [hbm4b:s0+s3], $0x80, v6, vm0, $0xb8;
	[tilespmem:$0x8500] =	vst v63  }
0x69: {  	_ = 	snop  }
0x6a: {  	[tilespmem:s23], [sflag:$0x1] =	stream.indirect_vreg.gather [hbm4b:s0+s3], $0x80, v5, vm0, $0xb8;
	[tilespmem:$0x8500] =	vst v63  }
0x6b: {  	[tilespmem:$0x8080] =	vst v3  }
0x6c: {  	[tilespmem:$0x8090] =	vst v3  }
0x6d: {  	[tilespmem:$0x80A0] =	vst v3  }
0x6e: {  	[tilespmem:$0x80B0] =	vst v3  }
0x6f: {  	[tilespmem:$0x80C0] =	vst v3  }
0x70: {  	[tilespmem:$0x80D0] =	vst v3  }
0x71: {  	[tilespmem:$0x80E0] =	vst v3  }
0x72: {  	[tilespmem:$0x80F0] =	vst v3  }
0x73: {  	[tilespmem:$0x8100] =	vst v4  }
0x74: {  	[tilespmem:$0x8110] =	vst v4  }
0x75: {  	[tilespmem:$0x8120] =	vst v4  }
0x76: {  	[tilespmem:$0x8130] =	vst v4  }
0x77: {  	[tilespmem:$0x8140] =	vst v4  }
0x78: {  	[tilespmem:$0x8150] =	vst v4  }
0x79: {  	[tilespmem:$0x8160] =	vst v4  }
0x7a: {  	[tilespmem:$0x8170] =	vst v4  }
0x7b: {  	[tilespmem:$0x8180] =	vst v4  }
0x7c: {  	[tilespmem:$0x8190] =	vst v4  }
0x7d: {  	[tilespmem:$0x81A0] =	vst v4  }
0x7e: {  	[tilespmem:$0x81B0] =	vst v4  }
0x7f: {  	[tilespmem:$0x81C0] =	vst v4  }
0x80: {  	[tilespmem:$0x81D0] =	vst v4  }
0x81: {  	[tilespmem:$0x81E0] =	vst v4  }
0x82: {  	[tilespmem:$0x81F0] =	vst v4  }
0x83: {  	[tilespmem:$0x8200] =	vst v4  }
0x84: {  	[tilespmem:$0x8210] =	vst v4  }
0x85: {  	[tilespmem:$0x8220] =	vst v4  }
0x86: {  	[tilespmem:$0x8230] =	vst v4  }
0x87: {  	[tilespmem:$0x8240] =	vst v4  }
0x88: {  	[tilespmem:$0x8250] =	vst v4  }
0x89: {  	[tilespmem:$0x8260] =	vst v4  }
0x8a: {  	[tilespmem:$0x8270] =	vst v4  }
0x8b: {  	[tilespmem:$0x8280] =	vst v4  }
0x8c: {  	[tilespmem:$0x8290] =	vst v4  }
0x8d: {  	[tilespmem:$0x82A0] =	vst v4  }
0x8e: {  	[tilespmem:$0x82B0] =	vst v4  }
0x8f: {  	[tilespmem:$0x82C0] =	vst v4  }
0x90: {  	[tilespmem:$0x82D0] =	vst v4  }
0x91: {  	[tilespmem:$0x82E0] =	vst v4  }
0x92: {  	s31 =	rddreg [dreg:$0x6];
	[tilespmem:$0x82F0] =	vst v4  }
0x93: {  	[spmem:s31] =	stream.linear.scatter [tilespmem:s24], [sflag:$0x2], $0x200, $0x38;
	[tilespmem:$0x8500] =	vst v63  }
0x94: {  	_ =	swait.ge [sflag:s7], $0x200  }
0x95: {  	[sflag:s7] =	ssyncset.done $0x0  }
0x96: {  	[sflag:s7] =	ssyncadd.s32 $0xFFFFFE00  }
0x97: {  	[bflag:$0x0] =	sbarrier.arrive $0xFFFF  }
0x98: {  	[spmem:s2] =	stream.indirect.scatter.add.f32 [tilespmem:s25], [sflag:$0x2], $0x1, s3, s8, $0xb8;
	[tilespmem:$0x8500] =	vst v63  }
0x99: {  	_ =	swait.ge [sflag:s7], $0x80  }
0x9a: {  	[sflag:s7] =	ssyncset.done $0x0  }
0x9b: {  	s28 =	sshrl.u32 @!p0 s2, $0x3;
	[sflag:s7] =	ssyncadd.s32 $0xFFFFFF80  }
0x9c: {  	s29 =	simm.s32 @!p0 $0x1;
	s30 =	simm.s32 @!p0 $0x20;
	[bflag:$0x0] =	sbarrier.arrive $0xFFFF  }
0x9d: {  	s1 =	simm.s32 @!p0 $0x1C02;
	s31 =	simm.s32 @!p0 $0x10;
	s26 =	rddreg [dreg:$0x7]  }
0x9e: {  	[hbm:s26@s30], [sflag:s1] =	dma.strided @!p0 [spmem:s28@s31], $0x400, s29, $0x10   }
0x9f: {  	s1 =	simm.s32 @!p0 $0x2  }
0xa0: {  	_ =	swait.ge @!p0 [sflag:s1], $0x400  }
0xa1: {  	[sflag:s1] =	ssyncset.done @!p0 $0x0  }
0xa2: {  	[sflag:s1] =	ssyncadd.s32 @!p0 $0xFFFFFC00  }
0xa3: {  	s6 =	sadd.s32 $0xFFFFFFFF, s6;
	_ =	swait.ge [sflag:s4], $0x8000  }
0xa4: {  	p1 =	sne.s32 s6, $0x0;
	[sflag:s4] =	ssyncset.done $0x0  }
.Ltmp0:
0xa5: {  	[sflag:s4] =	ssyncadd.s32 $0xFFFF8000;
	(pc) =	sbr.rel @p1 .LBB2_1-.Ltmp0, $4  }
0xa6: {  	[hbm4b:s5+s3] =	stream.linear.scatter [tilespmem:s8], [sflag:$0x2], $0x8000, $0x38;
	[tilespmem:$0x8500] =	vst v63  }
0xa7: {  	_ =	swait.ge [sflag:s7], $0x8000  }
0xa8: {  	[sflag:s7] =	ssyncset.done $0x0  }
0xa9: {  	[sflag:s7] =	ssyncadd.s32 $0xFFFF8000  }
0xaa: {  	_ =	sfence.sel $0x180000  }
0xab: {  	[bflag:$0x0] =	sbarrier.arrive $0xFFFF  }
0xac: {  	_ =	strace $0x90000047  }
0xad: {  	[bflag:$0x2] =	sbarrier.arrive $0xFFFF  }
0xae: {  	s0 =	rddreg [dreg:$0x4]  }
0xaf: {  	s0 =	sadd.s32 @!p0 $0x100000, s0  }
0xb0: {  	[sflag:s0] =	ssyncadd.tile.s32 @!p0 $0x1;
	_ =	shalt  }
.Lfunc_end2:
_tile_overlayer_lowered:
.L_overlay_start_2:
0xb1: {  	(tag) =	ssettag $0x2  }
0xb2: {  	s0 =	rddreg [dreg:$0x0];
	s2 =	stileid.u32  }
0xb3: {  	s1 =	rddreg [dreg:$0x1];
	p0 =	sne.s32 s2, $0x0  }
0xb4: {  	s3 =	rddreg [dreg:$0x2];
	[bflag:$0x3] =	sbarrier.arrive $0xFFFF;
	s2 =	simm.s32 @!p0 $0x1C02  }
0xb5: {  	[timem:s3], [sflag:s2] =	dma.local @!p0 [hbm:s0], s1  }
0xb6: {  	s0 =	simm.s32 @!p0 $0x2  }
0xb7: {  	_ =	swait.ge @!p0 [sflag:s0], s1  }
0xb8: {  	s1 =	ssub.s32 @!p0 $0x0, s1;
	[sflag:s0] =	ssyncset.done @!p0 $0x0  }
0xb9: {  	[sflag:s0] =	ssyncadd.s32 @!p0 s1  }
0xba: {  	[bflag:$0x3] =	sbarrier.arrive $0xFFFF  }
0xbb: {  	_ =	shalt  }

</sc_bundles>
